<compile_context>
chip_gen: v7x
topology: tpu7x:2x2x1
jax: 0.10.2.dev20260603
libtpu: 0.0.44.dev20260713+nightly
codegen_flags: <defaults>
</compile_context>

<pallas_src>
import functools

import jax
import jax.numpy as jnp
import numpy as np
from jax import lax
from jax.experimental import pallas as pl
from jax.experimental.pallas import tpu as pltpu
from jax.experimental.pallas import tpu_sc as plsc

_MASK_RATIO = 0.2
_MASK_KEY = 42

_LANES = 16
_NC, _NS = 2, 16


@functools.lru_cache(maxsize=None)
def _mask_indices(batch: int, time: int) -> np.ndarray:
    num_masks = int(_MASK_RATIO * time)

    def draw():
        keys = jax.random.split(jax.random.key(_MASK_KEY), batch)
        return jax.vmap(
            lambda k: jax.random.choice(k, time, shape=(num_masks,), replace=False)
        )(keys)

    with jax.ensure_compile_time_eval():
        try:
            cpu = jax.local_devices(backend="cpu")[0]
            with jax.default_device(cpu):
                idx = draw()
        except RuntimeError:
            idx = draw()
        idx = np.asarray(jax.device_get(idx), dtype=np.int32)
    pad = (-num_masks) % _LANES
    if pad:
        idx = np.concatenate([idx, np.repeat(idx[:, -1:], pad, axis=1)], axis=1)
    return idx


def _build_mask_sc(idx: jax.Array, batch: int, t_pad: int) -> jax.Array:
    n_pad = idx.shape[1]
    ones_row = jnp.ones((t_pad,), jnp.float32)
    mesh = plsc.VectorSubcoreMesh(core_axis_name="c", subcore_axis_name="s")

    @functools.partial(
        pl.kernel,
        out_type=jax.ShapeDtypeStruct((batch, t_pad), jnp.float32),
        mesh=mesh,
        compiler_params=pltpu.CompilerParams(needs_layout_passes=False),
        scratch_types=[
            pltpu.VMEM((n_pad,), jnp.int32),
            pltpu.VMEM((t_pad,), jnp.float32),
            pltpu.SemaphoreType.DMA,
            pltpu.SemaphoreType.DMA,
        ],
    )
    def sc_kernel(idx_hbm, ones_hbm, mask_hbm, idx_v, row_v, sem_i, sem_r):
        wid = lax.axis_index("s") * _NC + lax.axis_index("c")

        zeros16 = jnp.zeros((_LANES,), jnp.float32)

        cp_i = pltpu.async_copy(idx_hbm.at[wid], idx_v, sem_i)
        cp_r = pltpu.async_copy(ones_hbm, row_v, sem_r)
        cp_i.wait()
        cp_r.wait()

        for j in range(n_pad // _LANES):
            iv = idx_v[pl.ds(j * _LANES, _LANES)]
            plsc.store_scatter(row_v, [iv], zeros16)

        pltpu.sync_copy(row_v, mask_hbm.at[wid])

    return sc_kernel(idx, ones_row)


def _apply_mask_tc(x: jax.Array, mask: jax.Array) -> jax.Array:
    batch, freq, time = x.shape
    t_pad = mask.shape[-1]
    mask3 = mask.reshape(batch, 1, t_pad)

    bb = 16

    def body(x_ref, m_ref, o_ref):
        o_ref[...] = x_ref[...] * m_ref[:, :, :time]

    return pl.pallas_call(
        body,
        grid=(batch // bb,),
        in_specs=[
            pl.BlockSpec((bb, freq, time), lambda b: (b, 0, 0)),
            pl.BlockSpec((bb, 1, t_pad), lambda b: (b, 0, 0)),
        ],
        out_specs=pl.BlockSpec((bb, freq, time), lambda b: (b, 0, 0)),
        out_shape=jax.ShapeDtypeStruct((batch, freq, time), jnp.float32),
        compiler_params=pltpu.CompilerParams(
            vmem_limit_bytes=100 * 1024 * 1024,
        ),
    )(x, mask3)


def kernel(input_spec):
    batch, freq, time = input_spec.shape
    t_pad = time + ((-time) % _LANES)
    idx = jnp.asarray(_mask_indices(batch, time))
    mask = _build_mask_sc(idx, batch, t_pad)
    return _apply_mask_tc(input_spec, mask)

# --- scband reference (transcript-rebuilt; emitter-appended) ---
"""Pipeline reference for scband-gradient-mask-61641370632592 (READ-ONLY COPY).

The authoritative reference and input builder live on the scoring server;
editing this copy changes nothing except your own understanding.
"""

import jax, jax.numpy as jnp
import numpy as np

MASK_RATIO = 0.2
MASK_VALUE = 0.0


def setup_inputs(seed: int = 0) -> dict:
    key = jax.random.key(seed)
    input_spec = jax.random.normal(key, (32, 80, 3000), dtype=jnp.float32)
    return {"input_spec": input_spec}


def reference(input_spec):
    batch, freq, time = input_spec.shape
    num_masks = int(MASK_RATIO * time)
    # Original module draws, per batch element, num_masks distinct time
    # indices without replacement and overwrites those columns with
    # mask_value (a scatter-overwrite over the time axis).
    rkey = jax.random.key(42)
    keys = jax.random.split(rkey, batch)

    def mask_one(x, k):
        idx = jax.random.choice(k, time, shape=(num_masks,), replace=False)
        return x.at[:, idx].set(MASK_VALUE)

    out = jax.vmap(mask_one)(input_spec, keys)
    return out

if __name__ == "__main__":
    import jax
    _d = setup_inputs()
    print(jax.jit(kernel)(*tuple(_d.values())))

</pallas_src>

<mosaic_0001>
#map = affine_map<(d0, d1) -> (0, 0)>
#map1 = affine_map<(d0, d1) -> (0)>
module attributes {stable_mosaic.version = 14 : i64} {
  func.func @sc_kernel(%arg0: i32, %arg1: i32, %arg2: memref<32x608xi32, #tpu.memory_space<hbm>>, %arg3: memref<3008xf32, #tpu.memory_space<hbm>>, %arg4: memref<32x3008xf32, #tpu.memory_space<hbm>>, %arg5: memref<608xi32, #tpu.memory_space<vmem>>, %arg6: memref<3008xf32, #tpu.memory_space<vmem>>, %arg7: memref<!tpu.dma_semaphore, #tpu.memory_space<semaphore_mem>>, %arg8: memref<!tpu.dma_semaphore, #tpu.memory_space<semaphore_mem>>) attributes {dimension_semantics = [#tpu.dimension_semantics<core_parallel>, #tpu.dimension_semantics<subcore_parallel>], iteration_bounds = array<i64: 2, 16>, scalar_prefetch = 0 : i64, scratch_operands = 4 : i64, tpu.core_type = #tpu.core_type<sc_vector_subcore>, window_params = [{transform_indices = #map}, {transform_indices = #map1}, {transform_indices = #map}]} {
    %mul3A = arith.constant 2 : i32
    %mul3A_0 = arith.muli %arg1, %mul3A : i32
    %add3A = arith.addi %mul3A_0, %arg0 : i32
    %broadcast_in_dim3A = arith.constant 0.000000e+00 : f32
    %broadcast_in_dim3A_1 = vector.broadcast %broadcast_in_dim3A : f32 to vector<16xf32>
    %dma_start3A = arith.constant 0 : i32
    %dma_start3A_2 = tpu.memref_slice %arg2[%add3A, %dma_start3A] : memref<32x608xi32, #tpu.memory_space<hbm>> -> memref<1x608xi32, #tpu.memory_space<hbm>>
    %dma_start3A_3 = tpu.memref_squeeze %dma_start3A_2 : memref<1x608xi32, #tpu.memory_space<hbm>> -> memref<608xi32, #tpu.memory_space<hbm>>
    %dma_start3A_4 = arith.constant 0 : i32
    %dma_start3A_5 = tpu.memref_slice %arg2[%add3A, %dma_start3A_4] : memref<32x608xi32, #tpu.memory_space<hbm>> -> memref<1x608xi32, #tpu.memory_space<hbm>>
    %dma_start3A_6 = tpu.memref_squeeze %dma_start3A_5 : memref<1x608xi32, #tpu.memory_space<hbm>> -> memref<608xi32, #tpu.memory_space<hbm>>
    tpu.enqueue_dma source(%dma_start3A_6 : memref<608xi32, #tpu.memory_space<hbm>>) target(%arg5 : memref<608xi32, #tpu.memory_space<vmem>>) target_semaphore(%arg7 : memref<!tpu.dma_semaphore, #tpu.memory_space<semaphore_mem>>)
    tpu.enqueue_dma source(%arg3 : memref<3008xf32, #tpu.memory_space<hbm>>) target(%arg6 : memref<3008xf32, #tpu.memory_space<vmem>>) target_semaphore(%arg8 : memref<!tpu.dma_semaphore, #tpu.memory_space<semaphore_mem>>)
    %dma_wait3A = arith.constant 0 : i32
    %dma_wait3A_7 = tpu.memref_slice %arg2[%add3A, %dma_wait3A] : memref<32x608xi32, #tpu.memory_space<hbm>> -> memref<1x608xi32, #tpu.memory_space<hbm>>
    %dma_wait3A_8 = tpu.memref_squeeze %dma_wait3A_7 : memref<1x608xi32, #tpu.memory_space<hbm>> -> memref<608xi32, #tpu.memory_space<hbm>>
    %dma_wait3A_9 = arith.constant 0 : i32
    %dma_wait3A_10 = tpu.memref_slice %arg2[%add3A, %dma_wait3A_9] : memref<32x608xi32, #tpu.memory_space<hbm>> -> memref<1x608xi32, #tpu.memory_space<hbm>>
    %dma_wait3A_11 = tpu.memref_squeeze %dma_wait3A_10 : memref<1x608xi32, #tpu.memory_space<hbm>> -> memref<608xi32, #tpu.memory_space<hbm>>
    tpu.wait_dma2 semaphore(%arg7 : memref<!tpu.dma_semaphore, #tpu.memory_space<semaphore_mem>>) src(%dma_wait3A_11 : memref<608xi32, #tpu.memory_space<hbm>>) dst(%arg5 : memref<608xi32, #tpu.memory_space<vmem>>)
    tpu.wait_dma2 semaphore(%arg8 : memref<!tpu.dma_semaphore, #tpu.memory_space<semaphore_mem>>) src(%arg3 : memref<3008xf32, #tpu.memory_space<hbm>>) dst(%arg6 : memref<3008xf32, #tpu.memory_space<vmem>>)
    %get3A = arith.constant 0 : index
    %get3A_12 = tpu.vector_load %arg5[%get3A] {strides = array<i32>} : memref<608xi32, #tpu.memory_space<vmem>>, vector<16xi32>,
    tpu.vector_store_idx %arg6[%get3A_12], %broadcast_in_dim3A_1 : memref<3008xf32, #tpu.memory_space<vmem>>[vector<16xi32>], vector<16xf32>,
    %get3A_13 = arith.constant 16 : index
    %get3A_14 = tpu.vector_load %arg5[%get3A_13] {strides = array<i32>} : memref<608xi32, #tpu.memory_space<vmem>>, vector<16xi32>,
    tpu.vector_store_idx %arg6[%get3A_14], %broadcast_in_dim3A_1 : memref<3008xf32, #tpu.memory_space<vmem>>[vector<16xi32>], vector<16xf32>,
    %get3A_15 = arith.constant 32 : index
    %get3A_16 = tpu.vector_load %arg5[%get3A_15] {strides = array<i32>} : memref<608xi32, #tpu.memory_space<vmem>>, vector<16xi32>,
    tpu.vector_store_idx %arg6[%get3A_16], %broadcast_in_dim3A_1 : memref<3008xf32, #tpu.memory_space<vmem>>[vector<16xi32>], vector<16xf32>,
    %get3A_17 = arith.constant 48 : index
    %get3A_18 = tpu.vector_load %arg5[%get3A_17] {strides = array<i32>} : memref<608xi32, #tpu.memory_space<vmem>>, vector<16xi32>,
    tpu.vector_store_idx %arg6[%get3A_18], %broadcast_in_dim3A_1 : memref<3008xf32, #tpu.memory_space<vmem>>[vector<16xi32>], vector<16xf32>,
    %get3A_19 = arith.constant 64 : index
    %get3A_20 = tpu.vector_load %arg5[%get3A_19] {strides = array<i32>} : memref<608xi32, #tpu.memory_space<vmem>>, vector<16xi32>,
    tpu.vector_store_idx %arg6[%get3A_20], %broadcast_in_dim3A_1 : memref<3008xf32, #tpu.memory_space<vmem>>[vector<16xi32>], vector<16xf32>,
    %get3A_21 = arith.constant 80 : index
    %get3A_22 = tpu.vector_load %arg5[%get3A_21] {strides = array<i32>} : memref<608xi32, #tpu.memory_space<vmem>>, vector<16xi32>,
    tpu.vector_store_idx %arg6[%get3A_22], %broadcast_in_dim3A_1 : memref<3008xf32, #tpu.memory_space<vmem>>[vector<16xi32>], vector<16xf32>,
    %get3A_23 = arith.constant 96 : index
    %get3A_24 = tpu.vector_load %arg5[%get3A_23] {strides = array<i32>} : memref<608xi32, #tpu.memory_space<vmem>>, vector<16xi32>,
    tpu.vector_store_idx %arg6[%get3A_24], %broadcast_in_dim3A_1 : memref<3008xf32, #tpu.memory_space<vmem>>[vector<16xi32>], vector<16xf32>,
    %get3A_25 = arith.constant 112 : index
    %get3A_26 = tpu.vector_load %arg5[%get3A_25] {strides = array<i32>} : memref<608xi32, #tpu.memory_space<vmem>>, vector<16xi32>,
    tpu.vector_store_idx %arg6[%get3A_26], %broadcast_in_dim3A_1 : memref<3008xf32, #tpu.memory_space<vmem>>[vector<16xi32>], vector<16xf32>,
    %get3A_27 = arith.constant 128 : index
    %get3A_28 = tpu.vector_load %arg5[%get3A_27] {strides = array<i32>} : memref<608xi32, #tpu.memory_space<vmem>>, vector<16xi32>,
    tpu.vector_store_idx %arg6[%get3A_28], %broadcast_in_dim3A_1 : memref<3008xf32, #tpu.memory_space<vmem>>[vector<16xi32>], vector<16xf32>,
    %get3A_29 = arith.constant 144 : index
    %get3A_30 = tpu.vector_load %arg5[%get3A_29] {strides = array<i32>} : memref<608xi32, #tpu.memory_space<vmem>>, vector<16xi32>,
    tpu.vector_store_idx %arg6[%get3A_30], %broadcast_in_dim3A_1 : memref<3008xf32, #tpu.memory_space<vmem>>[vector<16xi32>], vector<16xf32>,
    %get3A_31 = arith.constant 160 : index
    %get3A_32 = tpu.vector_load %arg5[%get3A_31] {strides = array<i32>} : memref<608xi32, #tpu.memory_space<vmem>>, vector<16xi32>,
    tpu.vector_store_idx %arg6[%get3A_32], %broadcast_in_dim3A_1 : memref<3008xf32, #tpu.memory_space<vmem>>[vector<16xi32>], vector<16xf32>,
    %get3A_33 = arith.constant 176 : index
    %get3A_34 = tpu.vector_load %arg5[%get3A_33] {strides = array<i32>} : memref<608xi32, #tpu.memory_space<vmem>>, vector<16xi32>,
    tpu.vector_store_idx %arg6[%get3A_34], %broadcast_in_dim3A_1 : memref<3008xf32, #tpu.memory_space<vmem>>[vector<16xi32>], vector<16xf32>,
    %get3A_35 = arith.constant 192 : index
    %get3A_36 = tpu.vector_load %arg5[%get3A_35] {strides = array<i32>} : memref<608xi32, #tpu.memory_space<vmem>>, vector<16xi32>,
    tpu.vector_store_idx %arg6[%get3A_36], %broadcast_in_dim3A_1 : memref<3008xf32, #tpu.memory_space<vmem>>[vector<16xi32>], vector<16xf32>,
    %get3A_37 = arith.constant 208 : index
    %get3A_38 = tpu.vector_load %arg5[%get3A_37] {strides = array<i32>} : memref<608xi32, #tpu.memory_space<vmem>>, vector<16xi32>,
    tpu.vector_store_idx %arg6[%get3A_38], %broadcast_in_dim3A_1 : memref<3008xf32, #tpu.memory_space<vmem>>[vector<16xi32>], vector<16xf32>,
    %get3A_39 = arith.constant 224 : index
    %get3A_40 = tpu.vector_load %arg5[%get3A_39] {strides = array<i32>} : memref<608xi32, #tpu.memory_space<vmem>>, vector<16xi32>,
    tpu.vector_store_idx %arg6[%get3A_40], %broadcast_in_dim3A_1 : memref<3008xf32, #tpu.memory_space<vmem>>[vector<16xi32>], vector<16xf32>,
    %get3A_41 = arith.constant 240 : index
    %get3A_42 = tpu.vector_load %arg5[%get3A_41] {strides = array<i32>} : memref<608xi32, #tpu.memory_space<vmem>>, vector<16xi32>,
    tpu.vector_store_idx %arg6[%get3A_42], %broadcast_in_dim3A_1 : memref<3008xf32, #tpu.memory_space<vmem>>[vector<16xi32>], vector<16xf32>,
    %get3A_43 = arith.constant 256 : index
    %get3A_44 = tpu.vector_load %arg5[%get3A_43] {strides = array<i32>} : memref<608xi32, #tpu.memory_space<vmem>>, vector<16xi32>,
    tpu.vector_store_idx %arg6[%get3A_44], %broadcast_in_dim3A_1 : memref<3008xf32, #tpu.memory_space<vmem>>[vector<16xi32>], vector<16xf32>,
    %get3A_45 = arith.constant 272 : index
    %get3A_46 = tpu.vector_load %arg5[%get3A_45] {strides = array<i32>} : memref<608xi32, #tpu.memory_space<vmem>>, vector<16xi32>,
    tpu.vector_store_idx %arg6[%get3A_46], %broadcast_in_dim3A_1 : memref<3008xf32, #tpu.memory_space<vmem>>[vector<16xi32>], vector<16xf32>,
    %get3A_47 = arith.constant 288 : index
    %get3A_48 = tpu.vector_load %arg5[%get3A_47] {strides = array<i32>} : memref<608xi32, #tpu.memory_space<vmem>>, vector<16xi32>,
    tpu.vector_store_idx %arg6[%get3A_48], %broadcast_in_dim3A_1 : memref<3008xf32, #tpu.memory_space<vmem>>[vector<16xi32>], vector<16xf32>,
    %get3A_49 = arith.constant 304 : index
    %get3A_50 = tpu.vector_load %arg5[%get3A_49] {strides = array<i32>} : memref<608xi32, #tpu.memory_space<vmem>>, vector<16xi32>,
    tpu.vector_store_idx %arg6[%get3A_50], %broadcast_in_dim3A_1 : memref<3008xf32, #tpu.memory_space<vmem>>[vector<16xi32>], vector<16xf32>,
    %get3A_51 = arith.constant 320 : index
    %get3A_52 = tpu.vector_load %arg5[%get3A_51] {strides = array<i32>} : memref<608xi32, #tpu.memory_space<vmem>>, vector<16xi32>,
    tpu.vector_store_idx %arg6[%get3A_52], %broadcast_in_dim3A_1 : memref<3008xf32, #tpu.memory_space<vmem>>[vector<16xi32>], vector<16xf32>,
    %get3A_53 = arith.constant 336 : index
    %get3A_54 = tpu.vector_load %arg5[%get3A_53] {strides = array<i32>} : memref<608xi32, #tpu.memory_space<vmem>>, vector<16xi32>,
    tpu.vector_store_idx %arg6[%get3A_54], %broadcast_in_dim3A_1 : memref<3008xf32, #tpu.memory_space<vmem>>[vector<16xi32>], vector<16xf32>,
    %get3A_55 = arith.constant 352 : index
    %get3A_56 = tpu.vector_load %arg5[%get3A_55] {strides = array<i32>} : memref<608xi32, #tpu.memory_space<vmem>>, vector<16xi32>,
    tpu.vector_store_idx %arg6[%get3A_56], %broadcast_in_dim3A_1 : memref<3008xf32, #tpu.memory_space<vmem>>[vector<16xi32>], vector<16xf32>,
    %get3A_57 = arith.constant 368 : index
    %get3A_58 = tpu.vector_load %arg5[%get3A_57] {strides = array<i32>} : memref<608xi32, #tpu.memory_space<vmem>>, vector<16xi32>,
    tpu.vector_store_idx %arg6[%get3A_58], %broadcast_in_dim3A_1 : memref<3008xf32, #tpu.memory_space<vmem>>[vector<16xi32>], vector<16xf32>,
    %get3A_59 = arith.constant 384 : index
    %get3A_60 = tpu.vector_load %arg5[%get3A_59] {strides = array<i32>} : memref<608xi32, #tpu.memory_space<vmem>>, vector<16xi32>,
    tpu.vector_store_idx %arg6[%get3A_60], %broadcast_in_dim3A_1 : memref<3008xf32, #tpu.memory_space<vmem>>[vector<16xi32>], vector<16xf32>,
    %get3A_61 = arith.constant 400 : index
    %get3A_62 = tpu.vector_load %arg5[%get3A_61] {strides = array<i32>} : memref<608xi32, #tpu.memory_space<vmem>>, vector<16xi32>,
    tpu.vector_store_idx %arg6[%get3A_62], %broadcast_in_dim3A_1 : memref<3008xf32, #tpu.memory_space<vmem>>[vector<16xi32>], vector<16xf32>,
    %get3A_63 = arith.constant 416 : index
    %get3A_64 = tpu.vector_load %arg5[%get3A_63] {strides = array<i32>} : memref<608xi32, #tpu.memory_space<vmem>>, vector<16xi32>,
    tpu.vector_store_idx %arg6[%get3A_64], %broadcast_in_dim3A_1 : memref<3008xf32, #tpu.memory_space<vmem>>[vector<16xi32>], vector<16xf32>,
    %get3A_65 = arith.constant 432 : index
    %get3A_66 = tpu.vector_load %arg5[%get3A_65] {strides = array<i32>} : memref<608xi32, #tpu.memory_space<vmem>>, vector<16xi32>,
    tpu.vector_store_idx %arg6[%get3A_66], %broadcast_in_dim3A_1 : memref<3008xf32, #tpu.memory_space<vmem>>[vector<16xi32>], vector<16xf32>,
    %get3A_67 = arith.constant 448 : index
    %get3A_68 = tpu.vector_load %arg5[%get3A_67] {strides = array<i32>} : memref<608xi32, #tpu.memory_space<vmem>>, vector<16xi32>,
    tpu.vector_store_idx %arg6[%get3A_68], %broadcast_in_dim3A_1 : memref<3008xf32, #tpu.memory_space<vmem>>[vector<16xi32>], vector<16xf32>,
    %get3A_69 = arith.constant 464 : index
    %get3A_70 = tpu.vector_load %arg5[%get3A_69] {strides = array<i32>} : memref<608xi32, #tpu.memory_space<vmem>>, vector<16xi32>,
    tpu.vector_store_idx %arg6[%get3A_70], %broadcast_in_dim3A_1 : memref<3008xf32, #tpu.memory_space<vmem>>[vector<16xi32>], vector<16xf32>,
    %get3A_71 = arith.constant 480 : index
    %get3A_72 = tpu.vector_load %arg5[%get3A_71] {strides = array<i32>} : memref<608xi32, #tpu.memory_space<vmem>>, vector<16xi32>,
    tpu.vector_store_idx %arg6[%get3A_72], %broadcast_in_dim3A_1 : memref<3008xf32, #tpu.memory_space<vmem>>[vector<16xi32>], vector<16xf32>,
    %get3A_73 = arith.constant 496 : index
    %get3A_74 = tpu.vector_load %arg5[%get3A_73] {strides = array<i32>} : memref<608xi32, #tpu.memory_space<vmem>>, vector<16xi32>,
    tpu.vector_store_idx %arg6[%get3A_74], %broadcast_in_dim3A_1 : memref<3008xf32, #tpu.memory_space<vmem>>[vector<16xi32>], vector<16xf32>,
    %get3A_75 = arith.constant 512 : index
    %get3A_76 = tpu.vector_load %arg5[%get3A_75] {strides = array<i32>} : memref<608xi32, #tpu.memory_space<vmem>>, vector<16xi32>,
    tpu.vector_store_idx %arg6[%get3A_76], %broadcast_in_dim3A_1 : memref<3008xf32, #tpu.memory_space<vmem>>[vector<16xi32>], vector<16xf32>,
    %get3A_77 = arith.constant 528 : index
    %get3A_78 = tpu.vector_load %arg5[%get3A_77] {strides = array<i32>} : memref<608xi32, #tpu.memory_space<vmem>>, vector<16xi32>,
    tpu.vector_store_idx %arg6[%get3A_78], %broadcast_in_dim3A_1 : memref<3008xf32, #tpu.memory_space<vmem>>[vector<16xi32>], vector<16xf32>,
    %get3A_79 = arith.constant 544 : index
    %get3A_80 = tpu.vector_load %arg5[%get3A_79] {strides = array<i32>} : memref<608xi32, #tpu.memory_space<vmem>>, vector<16xi32>,
    tpu.vector_store_idx %arg6[%get3A_80], %broadcast_in_dim3A_1 : memref<3008xf32, #tpu.memory_space<vmem>>[vector<16xi32>], vector<16xf32>,
    %get3A_81 = arith.constant 560 : index
    %get3A_82 = tpu.vector_load %arg5[%get3A_81] {strides = array<i32>} : memref<608xi32, #tpu.memory_space<vmem>>, vector<16xi32>,
    tpu.vector_store_idx %arg6[%get3A_82], %broadcast_in_dim3A_1 : memref<3008xf32, #tpu.memory_space<vmem>>[vector<16xi32>], vector<16xf32>,
    %get3A_83 = arith.constant 576 : index
    %get3A_84 = tpu.vector_load %arg5[%get3A_83] {strides = array<i32>} : memref<608xi32, #tpu.memory_space<vmem>>, vector<16xi32>,
    tpu.vector_store_idx %arg6[%get3A_84], %broadcast_in_dim3A_1 : memref<3008xf32, #tpu.memory_space<vmem>>[vector<16xi32>], vector<16xf32>,
    %get3A_85 = arith.constant 592 : index
    %get3A_86 = tpu.vector_load %arg5[%get3A_85] {strides = array<i32>} : memref<608xi32, #tpu.memory_space<vmem>>, vector<16xi32>,
    tpu.vector_store_idx %arg6[%get3A_86], %broadcast_in_dim3A_1 : memref<3008xf32, #tpu.memory_space<vmem>>[vector<16xi32>], vector<16xf32>,
    "tpu.region"() ({
      %run_scoped3A = tpu.sem_alloc : memref<!tpu.dma_semaphore, #tpu.memory_space<semaphore_mem>>
      %dma_start3A_87 = arith.constant 0 : i32
      %dma_start3A_88 = tpu.memref_slice %arg4[%add3A, %dma_start3A_87] : memref<32x3008xf32, #tpu.memory_space<hbm>> -> memref<1x3008xf32, #tpu.memory_space<hbm>>
      %dma_start3A_89 = tpu.memref_squeeze %dma_start3A_88 : memref<1x3008xf32, #tpu.memory_space<hbm>> -> memref<3008xf32, #tpu.memory_space<hbm>>
      %dma_start3A_90 = arith.constant 0 : i32
      %dma_start3A_91 = tpu.memref_slice %arg4[%add3A, %dma_start3A_90] : memref<32x3008xf32, #tpu.memory_space<hbm>> -> memref<1x3008xf32, #tpu.memory_space<hbm>>
      %dma_start3A_92 = tpu.memref_squeeze %dma_start3A_91 : memref<1x3008xf32, #tpu.memory_space<hbm>> -> memref<3008xf32, #tpu.memory_space<hbm>>
      tpu.enqueue_dma source(%arg6 : memref<3008xf32, #tpu.memory_space<vmem>>) target(%dma_start3A_92 : memref<3008xf32, #tpu.memory_space<hbm>>) target_semaphore(%run_scoped3A : memref<!tpu.dma_semaphore, #tpu.memory_space<semaphore_mem>>)
      %dma_wait3A_93 = arith.constant 0 : i32
      %dma_wait3A_94 = tpu.memref_slice %arg4[%add3A, %dma_wait3A_93] : memref<32x3008xf32, #tpu.memory_space<hbm>> -> memref<1x3008xf32, #tpu.memory_space<hbm>>
      %dma_wait3A_95 = tpu.memref_squeeze %dma_wait3A_94 : memref<1x3008xf32, #tpu.memory_space<hbm>> -> memref<3008xf32, #tpu.memory_space<hbm>>
      %dma_wait3A_96 = arith.constant 0 : i32
      %dma_wait3A_97 = tpu.memref_slice %arg4[%add3A, %dma_wait3A_96] : memref<32x3008xf32, #tpu.memory_space<hbm>> -> memref<1x3008xf32, #tpu.memory_space<hbm>>
      %dma_wait3A_98 = tpu.memref_squeeze %dma_wait3A_97 : memref<1x3008xf32, #tpu.memory_space<hbm>> -> memref<3008xf32, #tpu.memory_space<hbm>>
      tpu.wait_dma2 semaphore(%run_scoped3A : memref<!tpu.dma_semaphore, #tpu.memory_space<semaphore_mem>>) src(%arg6 : memref<3008xf32, #tpu.memory_space<vmem>>) dst(%dma_wait3A_98 : memref<3008xf32, #tpu.memory_space<hbm>>)
      tpu.yield
    }) : () -> ()
    return
  }
}

module attributes {stable_mosaic.version = 14 : i64} {
  func.func @body(%arg0: i32, %arg1: memref<16x80x3000xf32, #tpu.memory_space<vmem>>, %arg2: memref<16x1x3008xf32, #tpu.memory_space<vmem>>, %arg3: memref<16x80x3000xf32, #tpu.memory_space<vmem>>) attributes {dimension_semantics = [#tpu.dimension_semantics<arbitrary>], iteration_bounds = array<i64: 2>, scalar_prefetch = 0 : i64, scratch_operands = 0 : i64, tpu.core_type = #tpu.core_type<tc>, window_params = [{transform_indices = @transform_0, window_bounds = array<i64: 16, 80, 3000>}, {transform_indices = @transform_1, window_bounds = array<i64: 16, 1, 3008>}, {transform_indices = @transform_2, window_bounds = array<i64: 16, 80, 3000>}]} {
    %get3A = arith.constant 0 : index
    %get3A_0 = arith.constant 0 : index
    %get3A_1 = arith.constant 0 : index
    %get3A_2 = vector.load %arg1[%get3A, %get3A_0, %get3A_1] : memref<16x80x3000xf32, #tpu.memory_space<vmem>>, vector<16x80x3000xf32>
    %get3A_3 = arith.constant 0 : index
    %get3A_4 = arith.constant 0 : index
    %get3A_5 = arith.constant 0 : index
    %get3A_6 = vector.load %arg2[%get3A_3, %get3A_4, %get3A_5] : memref<16x1x3008xf32, #tpu.memory_space<vmem>>, vector<16x1x3000xf32>
    %mul3A = vector.broadcast %get3A_6 : vector<16x1x3000xf32> to vector<16x80x3000xf32>
    %mul3A_7 = arith.mulf %get3A_2, %mul3A : vector<16x80x3000xf32>
    %swap3A = arith.constant 0 : index
    %swap3A_8 = arith.constant 0 : index
    %swap3A_9 = arith.constant 0 : index
    %swap3A_10 = vector.load %arg3[%swap3A, %swap3A_8, %swap3A_9] : memref<16x80x3000xf32, #tpu.memory_space<vmem>>, vector<16x80x3000xf32>
    tpu.vector_store %arg3[%swap3A, %swap3A_8, %swap3A_9], %mul3A_7 {strides = array<i32>} : memref<16x80x3000xf32, #tpu.memory_space<vmem>>, vector<16x80x3000xf32>,
    return
  }
  func.func @transform_0(%arg0: i32) -> (i32, i32, i32) {
    %c0_i32 = arith.constant 0 : i32
    %c0_i32_0 = arith.constant 0 : i32
    %c0_i32_1 = arith.constant 0 : i32
    return %arg0, %c0_i32, %c0_i32_0 : i32, i32, i32
  }
  func.func @transform_1(%arg0: i32) -> (i32, i32, i32) {
    %c0_i32 = arith.constant 0 : i32
    %c0_i32_0 = arith.constant 0 : i32
    %c0_i32_1 = arith.constant 0 : i32
    return %arg0, %c0_i32, %c0_i32_0 : i32, i32, i32
  }
  func.func @transform_2(%arg0: i32) -> (i32, i32, i32) {
    %c0_i32 = arith.constant 0 : i32
    %c0_i32_0 = arith.constant 0 : i32
    %c0_i32_1 = arith.constant 0 : i32
    return %arg0, %c0_i32, %c0_i32_0 : i32, i32, i32
  }
}

</mosaic_0001>

<sc_bundles>
// kernel: kernel.4.cloned.1.call-start
scs
__scs_entry_jumppad:
0x0: {  	(pc) =	sbr.rel $0x88, $3  }
0x1: {  	(tag) =	ssettag $0x0;
	lr =	simm.s32 $0x1  }
0x2: {  	[smem:$0x3FA0] =	sst lr;
	_ =	strace $0xD0000000  }
0x3: {  	_ = 	snop  }
0x4: {  	_ = 	snop  }
0x5: {  	_ = 	snop  }
0x6: {  	_ = 	snop  }
0x7: {  	_ = 	snop  }
__scs_overlays_trampoline_lowered:
0x8: {  	[smem:$0x3FAF] =	sst s0  }
0x9: {  	[smem:$0x3FB0] =	sst s1  }
0xa: {  	[smem:$0x3FB1] =	sst s2  }
0xb: {  	[smem:$0x3FB2] =	sst s3  }
0xc: {  	[smem:$0x3FB3] =	sst s4  }
0xd: {  	[smem:$0x3FB4] =	sst s5  }
0xe: {  	[smem:$0x3FB5] =	sst s6  }
0xf: {  	[smem:$0x3FB6] =	sst s7  }
0x10: {  	[smem:$0x3FB7] =	sst s8  }
0x11: {  	[smem:$0x3FB8] =	sst s9;
	s0 =	simm.s32 @!p0 $0x0  }
0x12: {  	s1 =	sld [smem:$0x3F9E];
	s0 =	simm.s32 @p0 $0x1  }
0x13: {  	[smem:$0x3FB9] =	sst s0;
	s0 =	simm.s32 @!p1 $0x0  }
0x14: {  	s2 =	sld [smem:$0x3F9D];
	s0 =	simm.s32 @p1 $0x1  }
0x15: {  	[smem:$0x3FBA] =	sst s0;
	s0 =	simm.s32 @!p2 $0x0  }
0x16: {  	s3 =	sld [smem:$0x3FDB];
	s0 =	simm.s32 @p2 $0x1  }
0x17: {  	s4 =	simm.s32 $0x1BF5;
	[smem:$0x3FBC] =	sst s0  }
0x18: {  	s0 =	sld [smem:$0x3F9F];
	_ =	swait.ge [sflag:s4], $0x0  }
0x19: {  	s7 =	sld [smem:$0x3FA0]  }
0x1a: {  	s8 =	sadd.s32 $0xFFFFE003, lr  }
0x1b: {  	s9 =	sadd.s32 $0xFFFFFEF7, lr;
	s5 =	simm.s32 $0xFFFFFFFF;
	p2 =	slt.u32 s8, $0xFFFFF086  }
0x1c: {  	p1 =	slt.u32 s9, $0xF7A;
	s5 =	simm.s32 @!p2 $0x0  }
0x1d: {  	s5 =	simm.s32 @p1 $0x1;
	p0 =	seq.s32 s7, s2  }
0x1e: {  	s7 =	smul.u32 @!p0 $0xF7A, s2;
	p2 =	seq.s32 @!p0 s5, $0x0  }
0x1f: {  	s9 =	smul.u32 $0xF7A, s1;
	s8 =	simm.s32 @!p0 $0x1BF5;
	p2 =	por !p2, p0  }
0x20: {  	[sflag:s8] =	ssyncset.s32 @!p0 $0xFFFFF086;
	s6 =	sadd.s32 @!p0 s3, s7;
	s7 =	simm.s32 @!p0 $0x108  }
0x21: {  	s3 =	sadd.s32 s3, s9;
	s6 =	sadd.s32 @!p0 $0x88, s6;
	s7 =	simm.s32 @p2 $0x1082  }
0x22: {  	[simem:s7], [sflag:s8] =	dma.local @!p0 [hbm:s6], $0xF7A  }
0x23: {  	s9 =	sor.u32 $0xD0000000, s2;
	s6 =	simm.s32 $0x108;
	_ =	swait.ge @!p0 [sflag:s8], $0x0  }
0x24: {  	s3 =	sadd.s32 $0x88, s3;
	s6 =	simm.s32 @!p1 $0x1082;
	[sflag:s4] =	ssyncset.s32 $0xFFFFF086  }
0x25: {  	[simem:s6], [sflag:s4] =	dma.local [hbm:s3], $0xF7A  }
0x26: {  	[smem:$0x3FA0] =	sst s1;
	(tag) =	ssettag s2;
	_ =	strace s9  }
0x27: {  	s1 =	sld [smem:$0x3FB0]  }
0x28: {  	s2 =	sld [smem:$0x3FB1]  }
0x29: {  	s4 =	sld [smem:$0x3FB3]  }
0x2a: {  	p0 =	seq.s32 s5, $0x0;
	s5 =	sld [smem:$0x3FB4]  }
0x2b: {  	s6 =	sld [smem:$0x3FB5]  }
0x2c: {  	s7 =	sld [smem:$0x3FB6]  }
0x2d: {  	s3 =	simm.s32 $0x108;
	s8 =	sld [smem:$0x3FB7]  }
0x2e: {  	s3 =	simm.s32 @!p0 $0x1082;
	s9 =	sld [smem:$0x3FB8]  }
0x2f: {  	lr =	sadd.s32 s0, s3;
	s0 =	sld [smem:$0x3FAF]  }
0x30: {  	s3 =	sld [smem:$0x3FB2]  }
0x31: {  	[smem:$0x3FBB] =	sst s10  }
0x32: {  	s10 =	sld [smem:$0x3FB9];
	_ =	sdelay $0x3  }
0x33: {  	p0 =	seq.s32 s10, $0x1;
	s10 =	sld [smem:$0x3FBB];
	_ =	sdelay $0x3  }
0x34: {  	[smem:$0x3FBB] =	sst s10  }
0x35: {  	s10 =	sld [smem:$0x3FBA];
	_ =	sdelay $0x3  }
0x36: {  	p1 =	seq.s32 s10, $0x1;
	s10 =	sld [smem:$0x3FBB];
	_ =	sdelay $0x3  }
0x37: {  	[smem:$0x3FBB] =	sst s10  }
0x38: {  	s10 =	sld [smem:$0x3FBC]  }
0x39: {  	_ = 	snop;
	(pc) =	sbr.ind lr, $3  }
0x3a: {  	_ = 	snop  }
0x3b: {  	_ = 	snop  }
0x3c: {  	p2 =	seq.s32 s10, $0x1;
	s10 =	sld [smem:$0x3FBB]  }
0x3d: {  	_ =	shalt  }
0x3e: {  	_ =	shalt  }
0x3f: {  	_ =	shalt  }
0x40: {  	_ =	shalt  }
0x41: {  	_ =	shalt  }
0x42: {  	_ =	shalt  }
0x43: {  	_ =	shalt  }
0x44: {  	_ =	shalt  }
0x45: {  	_ =	shalt  }
0x46: {  	_ =	shalt  }
0x47: {  	_ =	shalt  }
0x48: {  	_ =	shalt  }
0x49: {  	_ =	shalt  }
0x4a: {  	_ =	shalt  }
0x4b: {  	_ =	shalt  }
0x4c: {  	_ =	shalt  }
0x4d: {  	_ =	shalt  }
0x4e: {  	_ =	shalt  }
0x4f: {  	_ =	shalt  }
0x50: {  	_ =	shalt  }
0x51: {  	_ =	shalt  }
0x52: {  	_ =	shalt  }
0x53: {  	_ =	shalt  }
0x54: {  	_ =	shalt  }
0x55: {  	_ =	shalt  }
0x56: {  	_ =	shalt  }
0x57: {  	_ =	shalt  }
0x58: {  	_ =	shalt  }
0x59: {  	_ =	shalt  }
0x5a: {  	_ =	shalt  }
0x5b: {  	_ =	shalt  }
0x5c: {  	_ =	shalt  }
0x5d: {  	_ =	shalt  }
0x5e: {  	_ =	shalt  }
0x5f: {  	_ =	shalt  }
0x60: {  	_ =	shalt  }
0x61: {  	_ =	shalt  }
0x62: {  	_ =	shalt  }
0x63: {  	_ =	shalt  }
0x64: {  	_ =	shalt  }
0x65: {  	_ =	shalt  }
0x66: {  	_ =	shalt  }
0x67: {  	_ =	shalt  }
0x68: {  	_ =	shalt  }
0x69: {  	_ =	shalt  }
0x6a: {  	_ =	shalt  }
0x6b: {  	_ =	shalt  }
0x6c: {  	_ =	shalt  }
0x6d: {  	_ =	shalt  }
0x6e: {  	_ =	shalt  }
0x6f: {  	_ =	shalt  }
0x70: {  	_ =	shalt  }
0x71: {  	_ =	shalt  }
0x72: {  	_ =	shalt  }
0x73: {  	_ =	shalt  }
0x74: {  	_ =	shalt  }
0x75: {  	_ =	shalt  }
0x76: {  	_ =	shalt  }
0x77: {  	_ =	shalt  }
0x78: {  	_ =	shalt  }
0x79: {  	_ =	shalt  }
0x7a: {  	_ =	shalt  }
0x7b: {  	_ =	shalt  }
0x7c: {  	_ =	shalt  }
0x7d: {  	_ =	shalt  }
0x7e: {  	_ =	shalt  }
0x7f: {  	_ =	shalt  }
0x80: {  	_ =	shalt  }
0x81: {  	_ =	shalt  }
0x82: {  	_ =	shalt  }
0x83: {  	_ =	shalt  }
0x84: {  	_ =	shalt  }
0x85: {  	_ =	shalt  }
0x86: {  	_ =	shalt  }
0x87: {  	_ =	shalt  }
.Lfunc_end0:
.L_simem_size_0:
called_computation_lowered:
.L_overlay_start_0:
0x88: {  	s2 =	sld [smem:$0x3FD9]  }
0x89: {  	s3 =	sld [smem:$0x3FFE];
	_ =	sdelay $0x1  }
0x8a: {  	s1 =	srdreg.scid  }
0x8b: {  	s0 =	sand.u32 $0x1, s1  }
0x8c: {  	s17 =	sshll.u32 s0, $0xA;
	s2 =	sadd.s32 s3, s2  }
0x8d: {  	s2 =	sadd.s32 s2, s17  }
0x8e: {  	[smem:$0x3FC7] =	sst s2  }
0x8f: {  	_ = 	snop  }
0x90: {  	s2 =	sld [smem:$0x3FD0];
	(tm) =	ssettm $0x1  }
0x91: {  	s18 =	sld [smem:$0x3FFB];
	_ =	sdelay $0x3  }
0x92: {  	_ =	strace s18  }
0x93: {  	s3 =	sld [smem:$0x3FFC];
	_ =	sdelay $0x3  }
0x94: {  	_ =	strace s3  }
0x95: {  	s3 =	sld [smem:$0x3FFD];
	_ =	sdelay $0x3  }
0x96: {  	_ =	strace s3  }
0x97: {  	_ =	strace $0x8FFFFFFF  }
0x98: {  	s19 =	sld [smem:$0x3FDB];
	_ =	sdelay $0x1  }
0x99: {  	s4 =	simm.s32 $_scs_section_size  }
0x9a: {  	s5 =	simm.s32 $_size__tile_overlayer_lowered;
	s6 =	simm.s32 $_tile_overlayer_lowered  }
0x9b: {  	s22 =	simm.s32 $0x1BFF;
	s21 =	sshll.u32 s6, $0x1;
	s3 =	sadd.s32 s4, s19  }
0x9c: {  	s7 =	simm.s32 $0x0;
	s20 =	sshll.u32 s5, $0x1;
	s5 =	sadd.s32 s21, s3  }
0x9d: {  	[timem:s7], [sflag:s22] =	dma.local [hbm:s5], s20  }
0x9e: {  	_ =	swait.ge [sflag:s22], s20  }
0x9f: {  	s4 =	ssub.s32 $0x0, s20;
	[sflag:s22] =	ssyncset.done $0x0  }
0xa0: {  	[sflag:s22] =	ssyncadd.s32 s4;
	_ =	sdelay $0x1  }
0xa1: {  	s23 =	simm.s32 $0x1B8B  }
0xa2: {  	_ =	swait.ge [sflag:s23], $0x1  }
0xa3: {  	[sflag:s23] =	ssyncset.done $0x0  }
0xa4: {  	s25 =	simm.s32 $0x1B8E;
	s24 =	sld [smem:$0x3FFE];
	[sflag:s23] =	ssyncadd.s32 $0xFFFFFFFF  }
0xa5: {  	s26 =	simm.s32 $execute0_lowered;
	[smem:$0x3FD2] =	sst s25  }
0xa6: {  	s5 =	sshll.u32 s26, $0x1;
	_ =	strace $0x80000046;
	[dreg:$0x1] =	wrdreg $0xFFFFFFFF  }
0xa7: {  	s28 =	simm.s32 $_size_execute0_lowered;
	s3 =	sadd.s32 s3, s5;
	[dreg:$0x0] =	wrdreg $0x0  }
0xa8: {  	s5 =	sshll.u32 s28, $0x1;
	[dreg:$0x2] =	wrdreg s3  }
0xa9: {  	[dreg:$0x3] =	wrdreg s5  }
0xaa: {  	[dreg:$0x4] =	wrdreg $0xC0  }
0xab: {  	_ =	task [dreg:s7], $0x5FFFF  }
0xac: {  	[dreg:$0x1] =	wrdreg $0xFFFFFFFF  }
0xad: {  	[dreg:$0x0] =	wrdreg $0x60  }
0xae: {  	[dreg:$0x2] =	wrdreg s24  }
0xaf: {  	[dreg:$0x3] =	wrdreg s2  }
0xb0: {  	[dreg:$0x4] =	wrdreg $0x9  }
0xb1: {  	_ =	task.clear_ibuf [dreg:s7], $0x5FFFF;
	_ =	strace $0x90000046  }
0xb2: {  	s29 =	simm.s32 $0x9;
	_ =	strace $0x80000048  }
0xb3: {  	_ =	swait.ge [sflag:s29], $0x1  }
0xb4: {  	[sflag:s29] =	ssyncadd.s32 $0xFFFFFFFF  }
0xb5: {  	_ =	strace $0x90000048  }
0xb6: {  	_ =	sfence  }
0xb7: {  	s30 =	sld [smem:$0x0];
	_ =	sdelay $0x2  }
0xb8: {  	s31 =	sshll.u32 s1, $0xD;
	s1 =	sshrl.u32 s1, $0x2  }
0xb9: {  	s3 =	sand.u32 $0x4000, s31;
	s1 =	sadd.s32 s1, s30  }
0xba: {  	s0 =	sor.u32 s3, s0;
	s1 =	sshll.u32 s1, $0x11  }
0xbb: {  	s0 =	sor.u32 s1, s0  }
0xbc: {  	s0 =	sadd.s32 $0x8F2B, s0  }
0xbd: {  	[sflag:s0] =	ssyncadd.remote.s32 $0x1  }
0xbe: {  	_ =	sfence.sel $0xFFFF  }
0xbf: {  	[dreg:$0x0] =	wrdreg $0xFFFFFFFF;
	(pc) =	sbr.abs _section_cstart, $3  }
0xc0: {  	[dreg:$0x1] =	wrdreg $0xFFFFFFFF  }
0xc1: {  	_ =	task.clear_ibuf [dreg:s7], $0x2FFFF;
	_ =	strace $0x9FFFFFFF  }
0xc2: {  	(tm) =	ssettm $0x7FFFFFFF  }
0xc3: {  	_ =	shalt  }
tec
execute0_lowered:
.L_overlay_start_1:
0x0: {  	(tag) =	ssettag $0x1  }
0x1: {  	s3 =	rddreg [dreg:$0x0]  }
0x2: {  	s5 =	rddreg [dreg:$0x1]  }
0x3: {  	s1 =	srdreg.scid;
	s0 =	stileid.u32  }
0x4: {  	s2 =	simm.s32 $0x0;
	s10 =	simm.s32 $0x1;
	s11 =	simm.s32 $0x2  }
0x5: {  	s12 =	simm.s32 $0x3;
	s4 =	sand.u32 $0x1, s1;
	s1 =	rddreg [dreg:$0x2]  }
0x6: {  	s6 =	sshrl.u32 s0, $0x2;
	s29 =	sshll.u32 s0, $0x8;
	[smem:$0x7FF] =	sst s2  }
0x7: {  	s7 =	smul.u32 $0x1400, s6;
	s8 =	sshll.u32 s4, $0x7;
	s9 =	sand.u32 $0x300, s29  }
0x8: {  	s6 =	smul.u32 $0x6000, s6;
	_ =	strace $0x80000047;
	s4 =	ssub.s32 $0x2, s4  }
0x9: {  	s8 =	sor.u32 s8, s9;
	s30 =	sshrl.u32 s4, $0x1;
	s9 =	simm.s32 $0x280  }
0xa: {  	s7 =	sor.u32 s7, s8;
	s6 =	sor.u32 s6, s8;
	s31 =	ssub.s32 s4, s30  }
0xb: {  	s8 =	simm.s32 $0x400;
	s7 =	sshrl.u32 s7, $0x3;
	s6 =	sshrl.u32 s6, $0x3  }
0xc: {  	s7 =	sadd.s32 s7, s3;
	s3 =	sadd.s32 $0xE00, s3;
	s5 =	sadd.s32 s5, s6  }
0xd: {  	v0 =	vimm.f32 $0.0e+00;
	s6 =	smax.u32 s31, $0x1;
	s4 =	sadd.s32 $0x400, s7;
	s7 =	simm.s32 $0x80  }
.LBB2_1:
0xe: {  	[tilespmem:s2], [sflag:$0x1] =	stream.strided.gather [hbm4b:s4+s7], $0x280, s8, s7, $0x38;
	[tilespmem:$0xE80] =	vst v63  }
0xf: {  	_ = 	snop  }
0x10: {  	[tilespmem:s9], [sflag:$0x2] =	stream.linear.gather [hbm4b:s3+s2], $0xC00, $0x38;
	[tilespmem:$0xE80] =	vst v63  }
0x11: {  	_ =	swait.ge [sflag:s10], $0x280  }
0x12: {  	[sflag:s10] =	ssyncset.done $0x0  }
0x13: {  	[sflag:s10] =	ssyncadd.s32 $0xFFFFFD80  }
0x14: {  	_ =	swait.ge [sflag:s11], $0xC00  }
0x15: {  	[sflag:s11] =	ssyncset.done $0x0  }
0x16: {  	[sflag:s11] =	ssyncadd.s32 $0xFFFFF400  }
0x17: {  	v1 =	vld [tilespmem:$0x0];
	_ =	sdelay $0x7  }
0x18: {  	[tilespmem:v1+s9+$0x0] =	vst.idx.msk $0xffff, v0  }
0x19: {  	v1 =	vld [tilespmem:$0x10];
	_ =	sdelay $0x7  }
0x1a: {  	[tilespmem:v1+s9+$0x0] =	vst.idx.msk $0xffff, v0  }
0x1b: {  	v1 =	vld [tilespmem:$0x20];
	_ =	sdelay $0x7  }
0x1c: {  	[tilespmem:v1+s9+$0x0] =	vst.idx.msk $0xffff, v0  }
0x1d: {  	v1 =	vld [tilespmem:$0x30];
	_ =	sdelay $0x7  }
0x1e: {  	[tilespmem:v1+s9+$0x0] =	vst.idx.msk $0xffff, v0  }
0x1f: {  	v1 =	vld [tilespmem:$0x40];
	_ =	sdelay $0x7  }
0x20: {  	[tilespmem:v1+s9+$0x0] =	vst.idx.msk $0xffff, v0  }
0x21: {  	v1 =	vld [tilespmem:$0x50];
	_ =	sdelay $0x7  }
0x22: {  	[tilespmem:v1+s9+$0x0] =	vst.idx.msk $0xffff, v0  }
0x23: {  	v1 =	vld [tilespmem:$0x60];
	_ =	sdelay $0x7  }
0x24: {  	[tilespmem:v1+s9+$0x0] =	vst.idx.msk $0xffff, v0  }
0x25: {  	v1 =	vld [tilespmem:$0x70];
	_ =	sdelay $0x7  }
0x26: {  	[tilespmem:v1+s9+$0x0] =	vst.idx.msk $0xffff, v0  }
0x27: {  	v1 =	vld [tilespmem:$0x80];
	_ =	sdelay $0x7  }
0x28: {  	[tilespmem:v1+s9+$0x0] =	vst.idx.msk $0xffff, v0  }
0x29: {  	v1 =	vld [tilespmem:$0x90];
	_ =	sdelay $0x7  }
0x2a: {  	[tilespmem:v1+s9+$0x0] =	vst.idx.msk $0xffff, v0  }
0x2b: {  	v1 =	vld [tilespmem:$0xA0];
	_ =	sdelay $0x7  }
0x2c: {  	[tilespmem:v1+s9+$0x0] =	vst.idx.msk $0xffff, v0  }
0x2d: {  	v1 =	vld [tilespmem:$0xB0];
	_ =	sdelay $0x7  }
0x2e: {  	[tilespmem:v1+s9+$0x0] =	vst.idx.msk $0xffff, v0  }
0x2f: {  	v1 =	vld [tilespmem:$0xC0];
	_ =	sdelay $0x7  }
0x30: {  	[tilespmem:v1+s9+$0x0] =	vst.idx.msk $0xffff, v0  }
0x31: {  	v1 =	vld [tilespmem:$0xD0];
	_ =	sdelay $0x7  }
0x32: {  	[tilespmem:v1+s9+$0x0] =	vst.idx.msk $0xffff, v0  }
0x33: {  	v1 =	vld [tilespmem:$0xE0];
	_ =	sdelay $0x7  }
0x34: {  	[tilespmem:v1+s9+$0x0] =	vst.idx.msk $0xffff, v0  }
0x35: {  	v1 =	vld [tilespmem:$0xF0];
	_ =	sdelay $0x7  }
0x36: {  	[tilespmem:v1+s9+$0x0] =	vst.idx.msk $0xffff, v0  }
0x37: {  	v1 =	vld [tilespmem:$0x100];
	_ =	sdelay $0x7  }
0x38: {  	[tilespmem:v1+s9+$0x0] =	vst.idx.msk $0xffff, v0  }
0x39: {  	v1 =	vld [tilespmem:$0x110];
	_ =	sdelay $0x7  }
0x3a: {  	[tilespmem:v1+s9+$0x0] =	vst.idx.msk $0xffff, v0  }
0x3b: {  	v1 =	vld [tilespmem:$0x120];
	_ =	sdelay $0x7  }
0x3c: {  	[tilespmem:v1+s9+$0x0] =	vst.idx.msk $0xffff, v0  }
0x3d: {  	v1 =	vld [tilespmem:$0x130];
	_ =	sdelay $0x7  }
0x3e: {  	[tilespmem:v1+s9+$0x0] =	vst.idx.msk $0xffff, v0  }
0x3f: {  	v1 =	vld [tilespmem:$0x140];
	_ =	sdelay $0x7  }
0x40: {  	[tilespmem:v1+s9+$0x0] =	vst.idx.msk $0xffff, v0  }
0x41: {  	v1 =	vld [tilespmem:$0x150];
	_ =	sdelay $0x7  }
0x42: {  	[tilespmem:v1+s9+$0x0] =	vst.idx.msk $0xffff, v0  }
0x43: {  	v1 =	vld [tilespmem:$0x160];
	_ =	sdelay $0x7  }
0x44: {  	[tilespmem:v1+s9+$0x0] =	vst.idx.msk $0xffff, v0  }
0x45: {  	v1 =	vld [tilespmem:$0x170];
	_ =	sdelay $0x7  }
0x46: {  	[tilespmem:v1+s9+$0x0] =	vst.idx.msk $0xffff, v0  }
0x47: {  	v1 =	vld [tilespmem:$0x180];
	_ =	sdelay $0x7  }
0x48: {  	[tilespmem:v1+s9+$0x0] =	vst.idx.msk $0xffff, v0  }
0x49: {  	v1 =	vld [tilespmem:$0x190];
	_ =	sdelay $0x7  }
0x4a: {  	[tilespmem:v1+s9+$0x0] =	vst.idx.msk $0xffff, v0  }
0x4b: {  	v1 =	vld [tilespmem:$0x1A0];
	_ =	sdelay $0x7  }
0x4c: {  	[tilespmem:v1+s9+$0x0] =	vst.idx.msk $0xffff, v0  }
0x4d: {  	v1 =	vld [tilespmem:$0x1B0];
	_ =	sdelay $0x7  }
0x4e: {  	[tilespmem:v1+s9+$0x0] =	vst.idx.msk $0xffff, v0  }
0x4f: {  	v1 =	vld [tilespmem:$0x1C0];
	_ =	sdelay $0x7  }
0x50: {  	[tilespmem:v1+s9+$0x0] =	vst.idx.msk $0xffff, v0  }
0x51: {  	v1 =	vld [tilespmem:$0x1D0];
	_ =	sdelay $0x7  }
0x52: {  	[tilespmem:v1+s9+$0x0] =	vst.idx.msk $0xffff, v0  }
0x53: {  	v1 =	vld [tilespmem:$0x1E0];
	_ =	sdelay $0x7  }
0x54: {  	[tilespmem:v1+s9+$0x0] =	vst.idx.msk $0xffff, v0  }
0x55: {  	v1 =	vld [tilespmem:$0x1F0];
	_ =	sdelay $0x7  }
0x56: {  	[tilespmem:v1+s9+$0x0] =	vst.idx.msk $0xffff, v0  }
0x57: {  	v1 =	vld [tilespmem:$0x200];
	_ =	sdelay $0x7  }
0x58: {  	[tilespmem:v1+s9+$0x0] =	vst.idx.msk $0xffff, v0  }
0x59: {  	v1 =	vld [tilespmem:$0x210];
	_ =	sdelay $0x7  }
0x5a: {  	[tilespmem:v1+s9+$0x0] =	vst.idx.msk $0xffff, v0  }
0x5b: {  	v1 =	vld [tilespmem:$0x220];
	_ =	sdelay $0x7  }
0x5c: {  	[tilespmem:v1+s9+$0x0] =	vst.idx.msk $0xffff, v0  }
0x5d: {  	v1 =	vld [tilespmem:$0x230];
	_ =	sdelay $0x7  }
0x5e: {  	[tilespmem:v1+s9+$0x0] =	vst.idx.msk $0xffff, v0  }
0x5f: {  	v1 =	vld [tilespmem:$0x240];
	_ =	sdelay $0x7  }
0x60: {  	[tilespmem:v1+s9+$0x0] =	vst.idx.msk $0xffff, v0  }
0x61: {  	v1 =	vld [tilespmem:$0x250];
	_ =	sdelay $0x6  }
0x62: {  	p0 =	sne.s32 s6, $0x1  }
.Ltmp0:
0x63: {  	[tilespmem:v1+s9+$0x0] =	vst.idx.msk $0xffff, v0;
	(pc) =	sbr.rel @p0 .LBB2_1-.Ltmp0, $4  }
0x64: {  	[hbm4b:s5+s7] =	stream.strided.scatter [tilespmem:s9], [sflag:$0x3], $0xC00, s8, s7, $0x38;
	[tilespmem:$0xE80] =	vst v63  }
0x65: {  	_ =	swait.ge [sflag:s12], $0xC00  }
0x66: {  	[sflag:s12] =	ssyncset.done $0x0  }
0x67: {  	s6 =	sadd.s32 $0xFFFFFFFF, s6;
	[sflag:s12] =	ssyncadd.s32 $0xFFFFF400  }
0x68: {  	_ =	sfence.sel $0x180000  }
0x69: {  	[bflag:$0x0] =	sbarrier.arrive $0xFFFF  }
0x6a: {  	p0 =	sne.s32 s0, $0x0;
	_ =	strace $0x90000047  }
0x6b: {  	s0 =	sadd.s32 @!p0 $0x100000, s1;
	[bflag:$0x2] =	sbarrier.arrive $0xFFFF  }
0x6c: {  	[sflag:s0] =	ssyncadd.tile.s32 @!p0 $0x1;
	_ =	shalt  }
.Lfunc_end2:
_tile_overlayer_lowered:
.L_overlay_start_2:
0x6d: {  	(tag) =	ssettag $0x2  }
0x6e: {  	s0 =	rddreg [dreg:$0x0];
	s2 =	stileid.u32  }
0x6f: {  	s1 =	rddreg [dreg:$0x1];
	p0 =	sne.s32 s2, $0x0  }
0x70: {  	s3 =	rddreg [dreg:$0x2];
	[bflag:$0x3] =	sbarrier.arrive $0xFFFF;
	s2 =	simm.s32 @!p0 $0x1C03  }
0x71: {  	[timem:s3], [sflag:s2] =	dma.local @!p0 [hbm:s0], s1  }
0x72: {  	s0 =	simm.s32 @!p0 $0x3  }
0x73: {  	_ =	swait.ge @!p0 [sflag:s0], s1  }
0x74: {  	s1 =	ssub.s32 @!p0 $0x0, s1;
	[sflag:s0] =	ssyncset.done @!p0 $0x0  }
0x75: {  	[sflag:s0] =	ssyncadd.s32 @!p0 s1  }
0x76: {  	[bflag:$0x3] =	sbarrier.arrive $0xFFFF  }
0x77: {  	_ =	shalt  }

</sc_bundles>
